<compile_context>
chip_gen: v7x
topology: tpu7x:2x2x1
jax: 0.10.2.dev20260603
libtpu: 0.0.44.dev20260713+nightly
codegen_flags: <defaults>
</compile_context>

<pallas_src>
import functools

import jax
import jax.numpy as jnp
from jax import lax
from jax.experimental import pallas as pl
from jax.experimental.pallas import tpu as pltpu
from jax.experimental.pallas import tpu_sc as plsc

_N = 1024
_D = 512
_BLK = 256
_BIG = 2**30


def _body(x_blk_ref, x_all_ref, t_col_ref, t_row_ref, pair1_ref, idx_ref):
    x_blk = x_blk_ref[...]
    x_all = x_all_ref[...]
    t_col = t_col_ref[...]
    t_row = t_row_ref[...]
    dot = lax.dot_general(x_blk, x_all, (((1,), (1,)), ((), ())),
                          preferred_element_type=jnp.float32)
    sq_col = jnp.sum(x_blk * x_blk, axis=1, keepdims=True)
    sq_row = jnp.sum(x_all * x_all, axis=1)[None, :]
    d2 = (sq_col + sq_row) - 2.0 * dot
    dist = jnp.sqrt(jnp.clip(d2, 1e-12, None))
    mask = t_col == t_row
    ids = lax.broadcasted_iota(jnp.int32, (_BLK, _N), 1)
    pos_d = jnp.where(mask, dist, -jnp.inf)
    pmax = jnp.max(pos_d, axis=1, keepdims=True)
    idx_ref[0] = jnp.min(jnp.where(pos_d == pmax, ids, _BIG), axis=1,
                         keepdims=True)
    neg_d = jnp.where(mask, jnp.inf, dist)
    nmin = jnp.min(neg_d, axis=1, keepdims=True)
    idx_ref[1] = jnp.min(jnp.where(neg_d == nmin, ids, _BIG), axis=1,
                         keepdims=True)
    pair1_ref[0] = x_blk
    pair1_ref[1] = x_blk


def _mine(x, t_col, t_row, interpret=False):
    return pl.pallas_call(
        _body,
        grid=(_N // _BLK,),
        in_specs=[
            pl.BlockSpec((_BLK, _D), lambda i: (i, 0)),
            pl.BlockSpec((_N, _D), lambda i: (0, 0)),
            pl.BlockSpec((_BLK, 1), lambda i: (i, 0)),
            pl.BlockSpec((1, _N), lambda i: (0, 0)),
        ],
        out_specs=[
            pl.BlockSpec((2, _BLK, _D), lambda i: (0, i, 0)),
            pl.BlockSpec((2, _BLK, 1), lambda i: (0, i, 0)),
        ],
        out_shape=[
            jax.ShapeDtypeStruct((2, _N, _D), jnp.float32),
            jax.ShapeDtypeStruct((2, _N, 1), jnp.int32),
        ],
        interpret=interpret,
    )(x, x, t_col, t_row)


@functools.cache
def _sc_gather_fn():
    info = plsc.get_sparse_core_info()
    nc, ns = info.num_cores, info.num_subcores
    nw = nc * ns
    b = 2 * _N
    bpw = b // nw
    mesh = plsc.VectorSubcoreMesh(core_axis_name="c", subcore_axis_name="s")

    @functools.partial(
        pl.kernel,
        mesh=mesh,
        out_type=jax.ShapeDtypeStruct((b, _D), jnp.float32),
        scratch_types=[
            pltpu.VMEM((bpw,), jnp.int32),
            pltpu.VMEM((bpw, _D), jnp.float32),
            pltpu.SemaphoreType.DMA,
        ],
    )
    def gather(table_hbm, idx_hbm, out_hbm, idx_v, rows_v, sem):
        wid = lax.axis_index("s") * nc + lax.axis_index("c")
        base = wid * bpw
        pltpu.sync_copy(idx_hbm.at[pl.ds(base, bpw)], idx_v)
        pltpu.async_copy(table_hbm.at[idx_v], rows_v, sem).wait()
        pltpu.sync_copy(rows_v, out_hbm.at[pl.ds(base, bpw)])

    return gather


def kernel(inputs, targets):
    t_col = targets.reshape(_N, 1)
    t_row = targets.reshape(1, _N)
    pair1, idx = _mine(inputs, t_col, t_row)
    pair2 = _sc_gather_fn()(inputs, idx.reshape(2 * _N))
    y = jnp.concatenate([jnp.ones((_N,), inputs.dtype),
                         jnp.zeros((_N,), inputs.dtype)], axis=0)
    return (pair1.reshape(2 * _N, _D), pair2, y)

# --- scband reference (transcript-rebuilt; emitter-appended) ---
"""Pipeline reference for scband-transform-44341242364405 (READ-ONLY COPY).

The authoritative reference and input builder live on the scoring server;
editing this copy changes nothing except your own understanding.
"""

import jax, jax.numpy as jnp
import numpy as np


def setup_inputs(seed: int = 0) -> dict:
    key = jax.random.key(seed)
    k1, k2 = jax.random.split(key)
    inputs = jax.random.normal(k1, (1024, 512), dtype=jnp.float32)
    targets = jax.random.randint(k2, (1024,), 0, 64, dtype=jnp.int32)
    return {"inputs": inputs, "targets": targets}


def reference(inputs, targets):
    n = inputs.shape[0]
    flat = inputs.reshape(n, -1)
    # pairwise squared euclidean distances: ||xi||^2 + ||xj||^2 - 2 xi.xj
    sq = jnp.sum(flat * flat, axis=1, keepdims=True)  # [n,1]
    dist = sq + sq.T - 2.0 * (flat @ flat.T)
    dist = jnp.sqrt(jnp.clip(dist, 1e-12, None))
    # same-label mask (includes self on the diagonal, matching the torch code)
    mask = targets[:, None] == targets[None, :]
    # hardest positive: max distance among same-label entries (first occurrence on ties,
    # matching torch.max over the masked subset)
    pos_d = jnp.where(mask, dist, -jnp.inf)
    pos_idx = jnp.argmax(pos_d, axis=1)
    # hardest negative: min distance among different-label entries
    neg_d = jnp.where(mask, jnp.inf, dist)
    neg_idx = jnp.argmin(neg_d, axis=1)
    pair1 = jnp.concatenate([inputs, inputs], axis=0)
    pair2 = jnp.concatenate([jnp.take(inputs, pos_idx, axis=0),
                             jnp.take(inputs, neg_idx, axis=0)], axis=0)
    y = jnp.concatenate([jnp.ones((n,), dtype=inputs.dtype),
                         jnp.zeros((n,), dtype=inputs.dtype)], axis=0)
    return (pair1, pair2, y)

if __name__ == "__main__":
    import jax
    _d = setup_inputs()
    print(jax.jit(kernel)(*tuple(_d.values())))

</pallas_src>

<mosaic_0001>
#map = affine_map<(d0, d1) -> (0, 0)>
#map1 = affine_map<(d0, d1) -> (0)>
module attributes {stable_mosaic.version = 14 : i64} {
  func.func @gather(%arg0: i32, %arg1: i32, %arg2: memref<1024x512xf32, #tpu.memory_space<hbm>>, %arg3: memref<2048xi32, #tpu.memory_space<hbm>>, %arg4: memref<2048x512xf32, #tpu.memory_space<hbm>>, %arg5: memref<64xi32, #tpu.memory_space<vmem>>, %arg6: memref<64x512xf32, #tpu.memory_space<vmem>>, %arg7: memref<!tpu.dma_semaphore, #tpu.memory_space<semaphore_mem>>) attributes {dimension_semantics = [#tpu.dimension_semantics<core_parallel>, #tpu.dimension_semantics<subcore_parallel>], iteration_bounds = array<i64: 2, 16>, scalar_prefetch = 0 : i64, scratch_operands = 3 : i64, tpu.core_type = #tpu.core_type<sc_vector_subcore>, window_params = [{transform_indices = #map}, {transform_indices = #map1}, {transform_indices = #map}]} {
    %mul3A = arith.constant 2 : i32
    %mul3A_0 = arith.muli %arg1, %mul3A : i32
    %add3A = arith.addi %mul3A_0, %arg0 : i32
    %mul3A_1 = arith.constant 64 : i32
    %mul3A_2 = arith.muli %add3A, %mul3A_1 : i32
    "tpu.region"() ({
      %run_scoped3A = tpu.sem_alloc : memref<!tpu.dma_semaphore, #tpu.memory_space<semaphore_mem>>
      %dma_start3A_7 = tpu.memref_slice %arg3[%mul3A_2] : memref<2048xi32, #tpu.memory_space<hbm>> -> memref<64xi32, #tpu.memory_space<hbm>>
      %dma_start3A_8 = tpu.memref_slice %arg3[%mul3A_2] : memref<2048xi32, #tpu.memory_space<hbm>> -> memref<64xi32, #tpu.memory_space<hbm>>
      tpu.enqueue_dma source(%dma_start3A_8 : memref<64xi32, #tpu.memory_space<hbm>>) target(%arg5 : memref<64xi32, #tpu.memory_space<vmem>>) target_semaphore(%run_scoped3A : memref<!tpu.dma_semaphore, #tpu.memory_space<semaphore_mem>>)
      %dma_wait3A_9 = tpu.memref_slice %arg3[%mul3A_2] : memref<2048xi32, #tpu.memory_space<hbm>> -> memref<64xi32, #tpu.memory_space<hbm>>
      %dma_wait3A_10 = tpu.memref_slice %arg3[%mul3A_2] : memref<2048xi32, #tpu.memory_space<hbm>> -> memref<64xi32, #tpu.memory_space<hbm>>
      tpu.wait_dma2 semaphore(%run_scoped3A : memref<!tpu.dma_semaphore, #tpu.memory_space<semaphore_mem>>) src(%dma_wait3A_10 : memref<64xi32, #tpu.memory_space<hbm>>) dst(%arg5 : memref<64xi32, #tpu.memory_space<vmem>>)
      tpu.yield
    }) : () -> ()
    %dma_start3A = arith.constant 0 : i32
    %dma_start3A_3 = arith.constant 0 : i32
    %dma_start3A_4 = tpu.memref_slice %arg2[%dma_start3A, %dma_start3A_3] : memref<1024x512xf32, #tpu.memory_space<hbm>> -> memref<1024x512xf32, #tpu.memory_space<hbm>>
    tpu.enqueue_indirect_dma source(%dma_start3A_4 : memref<1024x512xf32, #tpu.memory_space<hbm>>) target(%arg6 : memref<64x512xf32, #tpu.memory_space<vmem>>) offsets(%arg5 : memref<64xi32, #tpu.memory_space<vmem>>) semaphore(%arg7 : memref<!tpu.dma_semaphore, #tpu.memory_space<semaphore_mem>>)
    %dma_wait3A = arith.constant 0 : i32
    %dma_wait3A_5 = arith.constant 0 : i32
    %dma_wait3A_6 = tpu.memref_slice %arg2[%dma_wait3A, %dma_wait3A_5] : memref<1024x512xf32, #tpu.memory_space<hbm>> -> memref<1024x512xf32, #tpu.memory_space<hbm>>
    tpu.wait_indirect_dma semaphore(%arg7 : memref<!tpu.dma_semaphore, #tpu.memory_space<semaphore_mem>>) src(%dma_wait3A_6 : memref<1024x512xf32, #tpu.memory_space<hbm>>) dst(%arg6 : memref<64x512xf32, #tpu.memory_space<vmem>>)
    "tpu.region"() ({
      %run_scoped3A = tpu.sem_alloc : memref<!tpu.dma_semaphore, #tpu.memory_space<semaphore_mem>>
      %dma_start3A_7 = arith.constant 0 : i32
      %dma_start3A_8 = tpu.memref_slice %arg4[%mul3A_2, %dma_start3A_7] : memref<2048x512xf32, #tpu.memory_space<hbm>> -> memref<64x512xf32, #tpu.memory_space<hbm>>
      %dma_start3A_9 = arith.constant 0 : i32
      %dma_start3A_10 = tpu.memref_slice %arg4[%mul3A_2, %dma_start3A_9] : memref<2048x512xf32, #tpu.memory_space<hbm>> -> memref<64x512xf32, #tpu.memory_space<hbm>>
      tpu.enqueue_dma source(%arg6 : memref<64x512xf32, #tpu.memory_space<vmem>>) target(%dma_start3A_10 : memref<64x512xf32, #tpu.memory_space<hbm>>) target_semaphore(%run_scoped3A : memref<!tpu.dma_semaphore, #tpu.memory_space<semaphore_mem>>)
      %dma_wait3A_11 = arith.constant 0 : i32
      %dma_wait3A_12 = tpu.memref_slice %arg4[%mul3A_2, %dma_wait3A_11] : memref<2048x512xf32, #tpu.memory_space<hbm>> -> memref<64x512xf32, #tpu.memory_space<hbm>>
      %dma_wait3A_13 = arith.constant 0 : i32
      %dma_wait3A_14 = tpu.memref_slice %arg4[%mul3A_2, %dma_wait3A_13] : memref<2048x512xf32, #tpu.memory_space<hbm>> -> memref<64x512xf32, #tpu.memory_space<hbm>>
      tpu.wait_dma2 semaphore(%run_scoped3A : memref<!tpu.dma_semaphore, #tpu.memory_space<semaphore_mem>>) src(%arg6 : memref<64x512xf32, #tpu.memory_space<vmem>>) dst(%dma_wait3A_14 : memref<64x512xf32, #tpu.memory_space<hbm>>)
      tpu.yield
    }) : () -> ()
    return
  }
}

module attributes {stable_mosaic.version = 14 : i64} {
  func.func @_body(%arg0: i32, %arg1: memref<256x512xf32, #tpu.memory_space<vmem>>, %arg2: memref<1024x512xf32, #tpu.memory_space<vmem>>, %arg3: memref<256x1xi32, #tpu.memory_space<vmem>>, %arg4: memref<1x1024xi32, #tpu.memory_space<vmem>>, %arg5: memref<2x256x512xf32, #tpu.memory_space<vmem>>, %arg6: memref<2x256x1xi32, #tpu.memory_space<vmem>>) attributes {dimension_semantics = [#tpu.dimension_semantics<arbitrary>], iteration_bounds = array<i64: 4>, scalar_prefetch = 0 : i64, scratch_operands = 0 : i64, tpu.core_type = #tpu.core_type<tc>, window_params = [{transform_indices = @transform_0, window_bounds = array<i64: 256, 512>}, {pipeline_mode = #tpu.pipeline_mode<synchronous>, transform_indices = @transform_1, window_bounds = array<i64: 1024, 512>}, {transform_indices = @transform_2, window_bounds = array<i64: 256, 1>}, {pipeline_mode = #tpu.pipeline_mode<synchronous>, transform_indices = @transform_3, window_bounds = array<i64: 1, 1024>}, {transform_indices = @transform_4, window_bounds = array<i64: 2, 256, 512>}, {transform_indices = @transform_5, window_bounds = array<i64: 2, 256, 1>}]} {
    %get3A = arith.constant 0 : index
    %get3A_0 = arith.constant 0 : index
    %get3A_1 = vector.load %arg1[%get3A, %get3A_0] : memref<256x512xf32, #tpu.memory_space<vmem>>, vector<256x512xf32>
    %get3A_2 = arith.constant 0 : index
    %get3A_3 = arith.constant 0 : index
    %get3A_4 = vector.load %arg2[%get3A_2, %get3A_3] : memref<1024x512xf32, #tpu.memory_space<vmem>>, vector<1024x512xf32>
    %get3A_5 = arith.constant 0 : index
    %get3A_6 = arith.constant 0 : index
    %get3A_7 = vector.load %arg3[%get3A_5, %get3A_6] : memref<256x1xi32, #tpu.memory_space<vmem>>, vector<256x1xi32>
    %get3A_8 = arith.constant 0 : index
    %get3A_9 = arith.constant 0 : index
    %get3A_10 = vector.load %arg4[%get3A_8, %get3A_9] : memref<1x1024xi32, #tpu.memory_space<vmem>>, vector<1x1024xi32>
    %dot_general3A = arith.constant dense<0.000000e+00> : vector<256x1024xf32>
    %dot_general3A_11 = tpu.matmul %get3A_1, %get3A_4, %dot_general3A {dimension_numbers = #tpu.dot_dimension_numbers<[1], [1], [0], [0], [0, 0, 1, 0], [], []>, transpose_lhs_hint = false} : vector<256x512xf32>, vector<1024x512xf32>, vector<256x1024xf32> -> vector<256x1024xf32>
    %mul3A = arith.mulf %get3A_1, %get3A_1 : vector<256x512xf32>
    %reduce_sum3A = arith.constant dense<0.000000e+00> : vector<256xf32>
    %reduce_sum3A_12 = vector.multi_reduction <add>, %mul3A, %reduce_sum3A [1] : vector<256x512xf32> to vector<256xf32>
    %broadcast_in_dim3A = vector.shape_cast %reduce_sum3A_12 : vector<256xf32> to vector<256x1xf32>
    %mul3A_13 = arith.mulf %get3A_4, %get3A_4 : vector<1024x512xf32>
    %reduce_sum3A_14 = arith.constant dense<0.000000e+00> : vector<1024xf32>
    %reduce_sum3A_15 = vector.multi_reduction <add>, %mul3A_13, %reduce_sum3A_14 [1] : vector<1024x512xf32> to vector<1024xf32>
    %broadcast_in_dim3A_16 = vector.shape_cast %reduce_sum3A_15 : vector<1024xf32> to vector<1x1024xf32>
    %add3A = vector.broadcast %broadcast_in_dim3A : vector<256x1xf32> to vector<256x1024xf32>
    %add3A_17 = vector.broadcast %broadcast_in_dim3A_16 : vector<1x1024xf32> to vector<256x1024xf32>
    %add3A_18 = arith.addf %add3A, %add3A_17 : vector<256x1024xf32>
    %mul3A_19 = arith.constant 2.000000e+00 : f32
    %mul3A_20 = vector.broadcast %mul3A_19 : f32 to vector<256x1024xf32>
    %mul3A_21 = arith.mulf %mul3A_20, %dot_general3A_11 : vector<256x1024xf32>
    %sub3A = arith.subf %add3A_18, %mul3A_21 : vector<256x1024xf32>
    %jit3A = arith.constant 9.99999996E-13 : f32
    %max3A = vector.broadcast %jit3A : f32 to vector<256x1024xf32>
    %max3A_22 = arith.maximumf %max3A, %sub3A : vector<256x1024xf32>
    %sqrt3A = math.sqrt %max3A_22 : vector<256x1024xf32>
    %eq3A = vector.broadcast %get3A_7 : vector<256x1xi32> to vector<256x1024xi32>
    %eq3A_23 = vector.broadcast %get3A_10 : vector<1x1024xi32> to vector<256x1024xi32>
    %eq3A_24 = arith.cmpi eq, %eq3A, %eq3A_23 : vector<256x1024xi32>
    %iota3A = tpu.iota {dimensions = array<i32: 1>} : vector<256x1024xi32>
    %jit3A_25 = arith.constant 0xFF800000 : f32
    %broadcast_in_dim3A_26 = vector.broadcast %jit3A_25 : f32 to vector<256x1024xf32>
    %select_n3A = arith.select %eq3A_24, %sqrt3A, %broadcast_in_dim3A_26 : vector<256x1024xi1>, vector<256x1024xf32>
    %reduce_max3A = arith.constant dense<0xFF800000> : vector<256xf32>
    %reduce_max3A_27 = vector.multi_reduction <maximumf>, %select_n3A, %reduce_max3A [1] : vector<256x1024xf32> to vector<256xf32>
    %broadcast_in_dim3A_28 = vector.shape_cast %reduce_max3A_27 : vector<256xf32> to vector<256x1xf32>
    %eq3A_29 = vector.broadcast %broadcast_in_dim3A_28 : vector<256x1xf32> to vector<256x1024xf32>
    %eq3A_30 = arith.cmpf oeq, %select_n3A, %eq3A_29 : vector<256x1024xf32>
    %jit3A_31 = arith.constant 1073741824 : i32
    %broadcast_in_dim3A_32 = vector.broadcast %jit3A_31 : i32 to vector<256x1024xi32>
    %select_n3A_33 = arith.select %eq3A_30, %iota3A, %broadcast_in_dim3A_32 : vector<256x1024xi1>, vector<256x1024xi32>
    %reduce_min3A = arith.constant dense<2147483647> : vector<256xi32>
    %reduce_min3A_34 = vector.multi_reduction <minsi>, %select_n3A_33, %reduce_min3A [1] : vector<256x1024xi32> to vector<256xi32>
    %broadcast_in_dim3A_35 = vector.shape_cast %reduce_min3A_34 : vector<256xi32> to vector<256x1xi32>
    %swap3A = arith.constant 0 : index
    %swap3A_36 = arith.constant 0 : index
    %swap3A_37 = arith.constant 0 : index
    %swap3A_38 = vector.load %arg6[%swap3A, %swap3A_36, %swap3A_37] : memref<2x256x1xi32, #tpu.memory_space<vmem>>, vector<1x256x1xi32>
    %swap3A_39 = vector.shape_cast %swap3A_38 : vector<1x256x1xi32> to vector<256x1xi32>
    %swap3A_40 = vector.shape_cast %broadcast_in_dim3A_35 : vector<256x1xi32> to vector<1x256x1xi32>
    tpu.vector_store %arg6[%swap3A, %swap3A_36, %swap3A_37], %swap3A_40 {strides = array<i32>} : memref<2x256x1xi32, #tpu.memory_space<vmem>>, vector<1x256x1xi32>,
    %jit3A_41 = arith.constant 0x7F800000 : f32
    %broadcast_in_dim3A_42 = vector.broadcast %jit3A_41 : f32 to vector<256x1024xf32>
    %select_n3A_43 = arith.select %eq3A_24, %broadcast_in_dim3A_42, %sqrt3A : vector<256x1024xi1>, vector<256x1024xf32>
    %reduce_min3A_44 = arith.constant dense<0x7F800000> : vector<256xf32>
    %reduce_min3A_45 = vector.multi_reduction <minimumf>, %select_n3A_43, %reduce_min3A_44 [1] : vector<256x1024xf32> to vector<256xf32>
    %broadcast_in_dim3A_46 = vector.shape_cast %reduce_min3A_45 : vector<256xf32> to vector<256x1xf32>
    %eq3A_47 = vector.broadcast %broadcast_in_dim3A_46 : vector<256x1xf32> to vector<256x1024xf32>
    %eq3A_48 = arith.cmpf oeq, %select_n3A_43, %eq3A_47 : vector<256x1024xf32>
    %jit3A_49 = arith.constant 1073741824 : i32
    %broadcast_in_dim3A_50 = vector.broadcast %jit3A_49 : i32 to vector<256x1024xi32>
    %select_n3A_51 = arith.select %eq3A_48, %iota3A, %broadcast_in_dim3A_50 : vector<256x1024xi1>, vector<256x1024xi32>
    %reduce_min3A_52 = arith.constant dense<2147483647> : vector<256xi32>
    %reduce_min3A_53 = vector.multi_reduction <minsi>, %select_n3A_51, %reduce_min3A_52 [1] : vector<256x1024xi32> to vector<256xi32>
    %broadcast_in_dim3A_54 = vector.shape_cast %reduce_min3A_53 : vector<256xi32> to vector<256x1xi32>
    %swap3A_55 = arith.constant 1 : index
    %swap3A_56 = arith.constant 0 : index
    %swap3A_57 = arith.constant 0 : index
    %swap3A_58 = vector.load %arg6[%swap3A_55, %swap3A_56, %swap3A_57] : memref<2x256x1xi32, #tpu.memory_space<vmem>>, vector<1x256x1xi32>
    %swap3A_59 = vector.shape_cast %swap3A_58 : vector<1x256x1xi32> to vector<256x1xi32>
    %swap3A_60 = vector.shape_cast %broadcast_in_dim3A_54 : vector<256x1xi32> to vector<1x256x1xi32>
    tpu.vector_store %arg6[%swap3A_55, %swap3A_56, %swap3A_57], %swap3A_60 {strides = array<i32>} : memref<2x256x1xi32, #tpu.memory_space<vmem>>, vector<1x256x1xi32>,
    %swap3A_61 = arith.constant 0 : index
    %swap3A_62 = arith.constant 0 : index
    %swap3A_63 = arith.constant 0 : index
    %swap3A_64 = vector.load %arg5[%swap3A_61, %swap3A_62, %swap3A_63] : memref<2x256x512xf32, #tpu.memory_space<vmem>>, vector<1x256x512xf32>
    %swap3A_65 = vector.shape_cast %swap3A_64 : vector<1x256x512xf32> to vector<256x512xf32>
    %swap3A_66 = vector.shape_cast %get3A_1 : vector<256x512xf32> to vector<1x256x512xf32>
    tpu.vector_store %arg5[%swap3A_61, %swap3A_62, %swap3A_63], %swap3A_66 {strides = array<i32>} : memref<2x256x512xf32, #tpu.memory_space<vmem>>, vector<1x256x512xf32>,
    %swap3A_67 = arith.constant 1 : index
    %swap3A_68 = arith.constant 0 : index
    %swap3A_69 = arith.constant 0 : index
    %swap3A_70 = vector.load %arg5[%swap3A_67, %swap3A_68, %swap3A_69] : memref<2x256x512xf32, #tpu.memory_space<vmem>>, vector<1x256x512xf32>
    %swap3A_71 = vector.shape_cast %swap3A_70 : vector<1x256x512xf32> to vector<256x512xf32>
    %swap3A_72 = vector.shape_cast %get3A_1 : vector<256x512xf32> to vector<1x256x512xf32>
    tpu.vector_store %arg5[%swap3A_67, %swap3A_68, %swap3A_69], %swap3A_72 {strides = array<i32>} : memref<2x256x512xf32, #tpu.memory_space<vmem>>, vector<1x256x512xf32>,
    return
  }
  func.func @transform_0(%arg0: i32) -> (i32, i32) {
    %c0_i32 = arith.constant 0 : i32
    %c0_i32_0 = arith.constant 0 : i32
    return %arg0, %c0_i32 : i32, i32
  }
  func.func @transform_1(%arg0: i32) -> (i32, i32) {
    %c0_i32 = arith.constant 0 : i32
    %c0_i32_0 = arith.constant 0 : i32
    %c0_i32_1 = arith.constant 0 : i32
    return %c0_i32, %c0_i32_0 : i32, i32
  }
  func.func @transform_2(%arg0: i32) -> (i32, i32) {
    %c0_i32 = arith.constant 0 : i32
    %c0_i32_0 = arith.constant 0 : i32
    return %arg0, %c0_i32 : i32, i32
  }
  func.func @transform_3(%arg0: i32) -> (i32, i32) {
    %c0_i32 = arith.constant 0 : i32
    %c0_i32_0 = arith.constant 0 : i32
    %c0_i32_1 = arith.constant 0 : i32
    return %c0_i32, %c0_i32_0 : i32, i32
  }
  func.func @transform_4(%arg0: i32) -> (i32, i32, i32) {
    %c0_i32 = arith.constant 0 : i32
    %c0_i32_0 = arith.constant 0 : i32
    %c0_i32_1 = arith.constant 0 : i32
    return %c0_i32, %arg0, %c0_i32_0 : i32, i32, i32
  }
  func.func @transform_5(%arg0: i32) -> (i32, i32, i32) {
    %c0_i32 = arith.constant 0 : i32
    %c0_i32_0 = arith.constant 0 : i32
    %c0_i32_1 = arith.constant 0 : i32
    return %c0_i32, %arg0, %c0_i32_0 : i32, i32, i32
  }
}

</mosaic_0001>

<sc_bundles>
// kernel: kernel.4.cloned.1.call-start
scs
__scs_entry_jumppad:
0x0: {  	(pc) =	sbr.rel $0x88, $3  }
0x1: {  	(tag) =	ssettag $0x0;
	lr =	simm.s32 $0x1  }
0x2: {  	[smem:$0x3F9F] =	sst lr;
	_ =	strace $0xD0000000  }
0x3: {  	_ = 	snop  }
0x4: {  	_ = 	snop  }
0x5: {  	_ = 	snop  }
0x6: {  	_ = 	snop  }
0x7: {  	_ = 	snop  }
__scs_overlays_trampoline_lowered:
0x8: {  	[smem:$0x3FAE] =	sst s0  }
0x9: {  	[smem:$0x3FAF] =	sst s1  }
0xa: {  	[smem:$0x3FB0] =	sst s2  }
0xb: {  	[smem:$0x3FB1] =	sst s3  }
0xc: {  	[smem:$0x3FB2] =	sst s4  }
0xd: {  	[smem:$0x3FB3] =	sst s5  }
0xe: {  	[smem:$0x3FB4] =	sst s6  }
0xf: {  	[smem:$0x3FB5] =	sst s7  }
0x10: {  	[smem:$0x3FB6] =	sst s8  }
0x11: {  	[smem:$0x3FB7] =	sst s9;
	s0 =	simm.s32 @!p0 $0x0  }
0x12: {  	s1 =	sld [smem:$0x3F9D];
	s0 =	simm.s32 @p0 $0x1  }
0x13: {  	[smem:$0x3FB8] =	sst s0;
	s0 =	simm.s32 @!p1 $0x0  }
0x14: {  	s2 =	sld [smem:$0x3F9C];
	s0 =	simm.s32 @p1 $0x1  }
0x15: {  	[smem:$0x3FB9] =	sst s0;
	s0 =	simm.s32 @!p2 $0x0  }
0x16: {  	s3 =	sld [smem:$0x3FDB];
	s0 =	simm.s32 @p2 $0x1  }
0x17: {  	s4 =	simm.s32 $0x1BF5;
	[smem:$0x3FBB] =	sst s0  }
0x18: {  	s0 =	sld [smem:$0x3F9E];
	_ =	swait.ge [sflag:s4], $0x0  }
0x19: {  	s7 =	sld [smem:$0x3F9F]  }
0x1a: {  	s8 =	sadd.s32 $0xFFFFE003, lr  }
0x1b: {  	s9 =	sadd.s32 $0xFFFFFEF7, lr;
	s5 =	simm.s32 $0xFFFFFFFF;
	p2 =	slt.u32 s8, $0xFFFFF086  }
0x1c: {  	p1 =	slt.u32 s9, $0xF7A;
	s5 =	simm.s32 @!p2 $0x0  }
0x1d: {  	s5 =	simm.s32 @p1 $0x1;
	p0 =	seq.s32 s7, s2  }
0x1e: {  	s7 =	smul.u32 @!p0 $0xF7A, s2;
	p2 =	seq.s32 @!p0 s5, $0x0  }
0x1f: {  	s9 =	smul.u32 $0xF7A, s1;
	s8 =	simm.s32 @!p0 $0x1BF5;
	p2 =	por !p2, p0  }
0x20: {  	[sflag:s8] =	ssyncset.s32 @!p0 $0xFFFFF086;
	s6 =	sadd.s32 @!p0 s3, s7;
	s7 =	simm.s32 @!p0 $0x108  }
0x21: {  	s3 =	sadd.s32 s3, s9;
	s6 =	sadd.s32 @!p0 $0x88, s6;
	s7 =	simm.s32 @p2 $0x1082  }
0x22: {  	[simem:s7], [sflag:s8] =	dma.local @!p0 [hbm:s6], $0xF7A  }
0x23: {  	s9 =	sor.u32 $0xD0000000, s2;
	s6 =	simm.s32 $0x108;
	_ =	swait.ge @!p0 [sflag:s8], $0x0  }
0x24: {  	s3 =	sadd.s32 $0x88, s3;
	s6 =	simm.s32 @!p1 $0x1082;
	[sflag:s4] =	ssyncset.s32 $0xFFFFF086  }
0x25: {  	[simem:s6], [sflag:s4] =	dma.local [hbm:s3], $0xF7A  }
0x26: {  	[smem:$0x3F9F] =	sst s1;
	(tag) =	ssettag s2;
	_ =	strace s9  }
0x27: {  	s1 =	sld [smem:$0x3FAF]  }
0x28: {  	s2 =	sld [smem:$0x3FB0]  }
0x29: {  	s4 =	sld [smem:$0x3FB2]  }
0x2a: {  	p0 =	seq.s32 s5, $0x0;
	s5 =	sld [smem:$0x3FB3]  }
0x2b: {  	s6 =	sld [smem:$0x3FB4]  }
0x2c: {  	s7 =	sld [smem:$0x3FB5]  }
0x2d: {  	s3 =	simm.s32 $0x108;
	s8 =	sld [smem:$0x3FB6]  }
0x2e: {  	s3 =	simm.s32 @!p0 $0x1082;
	s9 =	sld [smem:$0x3FB7]  }
0x2f: {  	lr =	sadd.s32 s0, s3;
	s0 =	sld [smem:$0x3FAE]  }
0x30: {  	s3 =	sld [smem:$0x3FB1]  }
0x31: {  	[smem:$0x3FBA] =	sst s10  }
0x32: {  	s10 =	sld [smem:$0x3FB8];
	_ =	sdelay $0x3  }
0x33: {  	p0 =	seq.s32 s10, $0x1;
	s10 =	sld [smem:$0x3FBA];
	_ =	sdelay $0x3  }
0x34: {  	[smem:$0x3FBA] =	sst s10  }
0x35: {  	s10 =	sld [smem:$0x3FB9];
	_ =	sdelay $0x3  }
0x36: {  	p1 =	seq.s32 s10, $0x1;
	s10 =	sld [smem:$0x3FBA];
	_ =	sdelay $0x3  }
0x37: {  	[smem:$0x3FBA] =	sst s10  }
0x38: {  	s10 =	sld [smem:$0x3FBB]  }
0x39: {  	_ = 	snop;
	(pc) =	sbr.ind lr, $3  }
0x3a: {  	_ = 	snop  }
0x3b: {  	_ = 	snop  }
0x3c: {  	p2 =	seq.s32 s10, $0x1;
	s10 =	sld [smem:$0x3FBA]  }
0x3d: {  	_ =	shalt  }
0x3e: {  	_ =	shalt  }
0x3f: {  	_ =	shalt  }
0x40: {  	_ =	shalt  }
0x41: {  	_ =	shalt  }
0x42: {  	_ =	shalt  }
0x43: {  	_ =	shalt  }
0x44: {  	_ =	shalt  }
0x45: {  	_ =	shalt  }
0x46: {  	_ =	shalt  }
0x47: {  	_ =	shalt  }
0x48: {  	_ =	shalt  }
0x49: {  	_ =	shalt  }
0x4a: {  	_ =	shalt  }
0x4b: {  	_ =	shalt  }
0x4c: {  	_ =	shalt  }
0x4d: {  	_ =	shalt  }
0x4e: {  	_ =	shalt  }
0x4f: {  	_ =	shalt  }
0x50: {  	_ =	shalt  }
0x51: {  	_ =	shalt  }
0x52: {  	_ =	shalt  }
0x53: {  	_ =	shalt  }
0x54: {  	_ =	shalt  }
0x55: {  	_ =	shalt  }
0x56: {  	_ =	shalt  }
0x57: {  	_ =	shalt  }
0x58: {  	_ =	shalt  }
0x59: {  	_ =	shalt  }
0x5a: {  	_ =	shalt  }
0x5b: {  	_ =	shalt  }
0x5c: {  	_ =	shalt  }
0x5d: {  	_ =	shalt  }
0x5e: {  	_ =	shalt  }
0x5f: {  	_ =	shalt  }
0x60: {  	_ =	shalt  }
0x61: {  	_ =	shalt  }
0x62: {  	_ =	shalt  }
0x63: {  	_ =	shalt  }
0x64: {  	_ =	shalt  }
0x65: {  	_ =	shalt  }
0x66: {  	_ =	shalt  }
0x67: {  	_ =	shalt  }
0x68: {  	_ =	shalt  }
0x69: {  	_ =	shalt  }
0x6a: {  	_ =	shalt  }
0x6b: {  	_ =	shalt  }
0x6c: {  	_ =	shalt  }
0x6d: {  	_ =	shalt  }
0x6e: {  	_ =	shalt  }
0x6f: {  	_ =	shalt  }
0x70: {  	_ =	shalt  }
0x71: {  	_ =	shalt  }
0x72: {  	_ =	shalt  }
0x73: {  	_ =	shalt  }
0x74: {  	_ =	shalt  }
0x75: {  	_ =	shalt  }
0x76: {  	_ =	shalt  }
0x77: {  	_ =	shalt  }
0x78: {  	_ =	shalt  }
0x79: {  	_ =	shalt  }
0x7a: {  	_ =	shalt  }
0x7b: {  	_ =	shalt  }
0x7c: {  	_ =	shalt  }
0x7d: {  	_ =	shalt  }
0x7e: {  	_ =	shalt  }
0x7f: {  	_ =	shalt  }
0x80: {  	_ =	shalt  }
0x81: {  	_ =	shalt  }
0x82: {  	_ =	shalt  }
0x83: {  	_ =	shalt  }
0x84: {  	_ =	shalt  }
0x85: {  	_ =	shalt  }
0x86: {  	_ =	shalt  }
0x87: {  	_ =	shalt  }
.Lfunc_end0:
.L_simem_size_0:
called_computation_lowered:
.L_overlay_start_0:
0x88: {  	s2 =	sld [smem:$0x3FD9]  }
0x89: {  	s3 =	sld [smem:$0x3FFE];
	_ =	sdelay $0x1  }
0x8a: {  	s1 =	srdreg.scid  }
0x8b: {  	s0 =	sand.u32 $0x1, s1  }
0x8c: {  	s15 =	sshll.u32 s0, $0xA;
	s2 =	sadd.s32 s3, s2  }
0x8d: {  	s2 =	sadd.s32 s2, s15  }
0x8e: {  	[smem:$0x3FC6] =	sst s2  }
0x8f: {  	_ = 	snop  }
0x90: {  	s2 =	sld [smem:$0x3FD0];
	_ =	sdelay $0x2  }
0x91: {  	s4 =	simm.s32 $0xA;
	s5 =	simm.s32 $0x10;
	s16 =	sld [smem:$0x3FC9]  }
0x92: {  	[smem:s5], [sflag:s4] =	dma.local [hbm:s2], $0x1  }
0x93: {  	_ =	swait.eq [sflag:s4], $0x1  }
0x94: {  	[sflag:s4] =	ssyncset.done $0x0  }
0x95: {  	s17 =	sld [smem:$0x11];
	[sflag:s4] =	ssyncadd.s32 $0xFFFFFFFF  }
0x96: {  	s18 =	sld [smem:$0x12];
	(tm) =	ssettm $0x1  }
0x97: {  	s19 =	sld [smem:$0x3FFB];
	_ =	sdelay $0x3  }
0x98: {  	_ =	strace s19  }
0x99: {  	s5 =	sld [smem:$0x3FFC];
	_ =	sdelay $0x3  }
0x9a: {  	_ =	strace s5  }
0x9b: {  	s5 =	sld [smem:$0x3FFD];
	_ =	sdelay $0x3  }
0x9c: {  	_ =	strace s5  }
0x9d: {  	_ =	strace $0x8FFFFFFF  }
0x9e: {  	s20 =	sld [smem:$0x3FDB];
	_ =	sdelay $0x1  }
0x9f: {  	s6 =	simm.s32 $_scs_section_size  }
0xa0: {  	s7 =	simm.s32 $_size__tile_overlayer_lowered;
	s8 =	simm.s32 $_tile_overlayer_lowered  }
0xa1: {  	s23 =	simm.s32 $0x1BFF;
	s22 =	sshll.u32 s8, $0x1;
	s5 =	sadd.s32 s6, s20  }
0xa2: {  	s9 =	simm.s32 $0x0;
	s21 =	sshll.u32 s7, $0x1;
	s7 =	sadd.s32 s22, s5  }
0xa3: {  	[timem:s9], [sflag:s23] =	dma.local [hbm:s7], s21  }
0xa4: {  	_ =	swait.ge [sflag:s23], s21  }
0xa5: {  	s6 =	ssub.s32 $0x0, s21;
	[sflag:s23] =	ssyncset.done $0x0  }
0xa6: {  	[sflag:s23] =	ssyncadd.s32 s6;
	_ =	sdelay $0x1  }
0xa7: {  	s24 =	simm.s32 $0x1B8B  }
0xa8: {  	_ =	swait.ge [sflag:s24], $0x1  }
0xa9: {  	[sflag:s24] =	ssyncset.done $0x0  }
0xaa: {  	s25 =	simm.s32 $0x1B8E;
	[sflag:s24] =	ssyncadd.s32 $0xFFFFFFFF  }
0xab: {  	s26 =	simm.s32 $execute0_lowered;
	[smem:$0x3FD2] =	sst s25  }
0xac: {  	s6 =	sshll.u32 s26, $0x1;
	_ =	strace $0x80000046;
	[dreg:$0x1] =	wrdreg $0xFFFFFFFF  }
0xad: {  	s28 =	simm.s32 $_size_execute0_lowered;
	s5 =	sadd.s32 s5, s6;
	[dreg:$0x0] =	wrdreg $0x0  }
0xae: {  	s6 =	sshll.u32 s28, $0x1;
	[dreg:$0x2] =	wrdreg s5  }
0xaf: {  	[dreg:$0x3] =	wrdreg s6  }
0xb0: {  	[dreg:$0x4] =	wrdreg $0xC0  }
0xb1: {  	_ =	task [dreg:s9], $0x5FFFF  }
0xb2: {  	[dreg:$0x1] =	wrdreg $0xFFFFFFFF  }
0xb3: {  	[dreg:$0x0] =	wrdreg $0x60  }
0xb4: {  	[dreg:$0x2] =	wrdreg s16  }
0xb5: {  	[dreg:$0x3] =	wrdreg s18  }
0xb6: {  	[dreg:$0x4] =	wrdreg s17  }
0xb7: {  	[dreg:$0x5] =	wrdreg $0x9  }
0xb8: {  	_ =	task.clear_ibuf [dreg:s9], $0x6FFFF;
	_ =	strace $0x90000046  }
0xb9: {  	s29 =	simm.s32 $0x9;
	_ =	strace $0x80000048  }
0xba: {  	_ =	swait.ge [sflag:s29], $0x1  }
0xbb: {  	[sflag:s29] =	ssyncadd.s32 $0xFFFFFFFF  }
0xbc: {  	_ =	strace $0x90000048  }
0xbd: {  	_ =	sfence  }
0xbe: {  	s30 =	sld [smem:$0x0];
	_ =	sdelay $0x2  }
0xbf: {  	s31 =	sshll.u32 s1, $0xD;
	s1 =	sshrl.u32 s1, $0x2  }
0xc0: {  	s3 =	sand.u32 $0x4000, s31;
	s1 =	sadd.s32 s1, s30  }
0xc1: {  	s0 =	sor.u32 s3, s0;
	s1 =	sshll.u32 s1, $0x11  }
0xc2: {  	s0 =	sor.u32 s1, s0  }
0xc3: {  	s0 =	sadd.s32 $0x8F2B, s0  }
0xc4: {  	[sflag:s0] =	ssyncadd.remote.s32 $0x1  }
0xc5: {  	_ =	sfence.sel $0xFFFF  }
0xc6: {  	[dreg:$0x0] =	wrdreg $0xFFFFFFFF;
	(pc) =	sbr.abs _section_cstart, $3  }
0xc7: {  	[dreg:$0x1] =	wrdreg $0xFFFFFFFF  }
0xc8: {  	_ =	task.clear_ibuf [dreg:s9], $0x2FFFF;
	_ =	strace $0x9FFFFFFF  }
0xc9: {  	(tm) =	ssettm $0x7FFFFFFF  }
tec
execute0_lowered:
.L_overlay_start_1:
0x0: {  	(tag) =	ssettag $0x1  }
0x1: {  	s1 =	rddreg [dreg:$0x0]  }
0x2: {  	s4 =	rddreg [dreg:$0x1]  }
0x3: {  	s6 =	rddreg [dreg:$0x2];
	s3 =	srdreg.scid  }
0x4: {  	s0 =	rddreg [dreg:$0x3];
	s2 =	stileid.u32;
	s10 =	simm.s32 $0x880  }
0x5: {  	s11 =	simm.s32 $0x1080;
	s12 =	simm.s32 $0x1880;
	s13 =	simm.s32 $0x2080  }
0x6: {  	s14 =	simm.s32 $0x2880;
	s15 =	simm.s32 $0x3080;
	s16 =	simm.s32 $0x3880  }
0x7: {  	s17 =	simm.s32 $0x4080;
	s18 =	simm.s32 $0x4880;
	s19 =	simm.s32 $0x5080  }
0x8: {  	s20 =	simm.s32 $0x5880;
	s21 =	simm.s32 $0x6080;
	s22 =	simm.s32 $0x6880  }
0x9: {  	s23 =	simm.s32 $0x7080;
	s24 =	simm.s32 $0x7880;
	s25 =	simm.s32 $0x1  }
0xa: {  	s5 =	sand.u32 $0x1, s3;
	s3 =	simm.s32 $0x0;
	s7 =	sshll.u32 s2, $0x7  }
0xb: {  	s8 =	sshll.u32 s5, $0x6;
	[smem:$0x7FF] =	sst s3;
	s5 =	ssub.s32 $0x2, s5  }
0xc: {  	s7 =	sor.u32 s8, s7;
	_ =	strace $0x80000047;
	s31 =	sshrl.u32 s5, $0x1  }
0xd: {  	v2 =	vlaneseq.u32;
	s9 =	sshrl.u32 s7, $0x3;
	s8 =	ssub.s32 s5, s31;
	s7 =	sshll.u32 s7, $0x6  }
0xe: {  	vm0 =	vmmov $0xffff;
	v1 =	vshrl.u32 v2, $0x3;
	s5 =	sadd.s32 $0x100, s1;
	s4 =	sadd.s32 s4, s9;
	s6 =	sadd.s32 s6, s7  }
0xf: {  	v0 =	vand.u32 $0x7, v2;
	v2 =	vor.u32 $0x8, v2;
	v1 =	vmul.u32 $0x8, v1;
	s7 =	smax.u32 s8, $0x1;
	s8 =	simm.s32 $0x2;
	s9 =	simm.s32 $0x80  }
.LBB2_1:
0x10: {  	[tilespmem:s3], [sflag:$0x2] =	stream.linear.gather [hbm4b:s4+s3], $0x40, $0x38;
	[tilespmem:$0x8080] =	vst v63  }
0x11: {  	_ =	swait.ge [sflag:s8], $0x40  }
0x12: {  	[sflag:s8] =	ssyncset.done $0x0  }
0x13: {  	[sflag:s8] =	ssyncadd.s32 $0xFFFFFFC0  }
0x14: {  	v3 =	vld [tilespmem:$0x0];
	_ =	sdelay $0x4  }
0x15: {  	v4 =	vshll.u32 v3, $0x2  }
0x16: {  	v3 =	vand.u32 $0x7, v3;
	v4 =	vand.u32 $0xFFFFFFE0, v4  }
0x17: {  	v3 =	vor.u32 v3, v4  }
0x18: {  	v4 =	vperm.xlane v3, v0;
	_ =	sdelay $0x1  }
0x19: {  	v4 =	vadd.s32 v1, v4;
	_ =	sdelay $0x1  }
0x1a: {  	v3 =	vperm.xlane v3, v2;
	_ =	sdelay $0x1  }
0x1b: {  	v3 =	vadd.s32 v1, v3  }
0x1c: {  	[tilespmem:s9], [sflag:$0x1] =	stream.indirect_vreg.gather [hbm4b:s1+s3], $0x80, v4, vm0, $0xb8;
	[tilespmem:$0x8080] =	vst v63  }
0x1d: {  	_ = 	snop  }
0x1e: {  	[tilespmem:s10], [sflag:$0x1] =	stream.indirect_vreg.gather [hbm4b:s5+s3], $0x80, v4, vm0, $0xb8;
	[tilespmem:$0x8080] =	vst v63  }
0x1f: {  	_ = 	snop  }
0x20: {  	[tilespmem:s11], [sflag:$0x1] =	stream.indirect_vreg.gather [hbm4b:s1+s3], $0x80, v3, vm0, $0xb8;
	[tilespmem:$0x8080] =	vst v63  }
0x21: {  	_ = 	snop  }
0x22: {  	[tilespmem:s12], [sflag:$0x1] =	stream.indirect_vreg.gather [hbm4b:s5+s3], $0x80, v3, vm0, $0xb8;
	[tilespmem:$0x8080] =	vst v63  }
0x23: {  	v3 =	vld [tilespmem:$0x10];
	_ =	sdelay $0x4  }
0x24: {  	v61 =	vshll.u32 v3, $0x2  }
0x25: {  	v3 =	vand.u32 $0x7, v3;
	v4 =	vand.u32 $0xFFFFFFE0, v61  }
0x26: {  	v3 =	vor.u32 v3, v4  }
0x27: {  	v4 =	vperm.xlane v3, v0;
	_ =	sdelay $0x1  }
0x28: {  	v4 =	vadd.s32 v1, v4;
	_ =	sdelay $0x1  }
0x29: {  	v3 =	vperm.xlane v3, v2;
	_ =	sdelay $0x1  }
0x2a: {  	v3 =	vadd.s32 v1, v3  }
0x2b: {  	[tilespmem:s13], [sflag:$0x1] =	stream.indirect_vreg.gather [hbm4b:s1+s3], $0x80, v4, vm0, $0xb8;
	[tilespmem:$0x8080] =	vst v63  }
0x2c: {  	_ = 	snop  }
0x2d: {  	[tilespmem:s14], [sflag:$0x1] =	stream.indirect_vreg.gather [hbm4b:s5+s3], $0x80, v4, vm0, $0xb8;
	[tilespmem:$0x8080] =	vst v63  }
0x2e: {  	_ = 	snop  }
0x2f: {  	[tilespmem:s15], [sflag:$0x1] =	stream.indirect_vreg.gather [hbm4b:s1+s3], $0x80, v3, vm0, $0xb8;
	[tilespmem:$0x8080] =	vst v63  }
0x30: {  	_ = 	snop  }
0x31: {  	[tilespmem:s16], [sflag:$0x1] =	stream.indirect_vreg.gather [hbm4b:s5+s3], $0x80, v3, vm0, $0xb8;
	[tilespmem:$0x8080] =	vst v63  }
0x32: {  	v3 =	vld [tilespmem:$0x20];
	_ =	sdelay $0x4  }
0x33: {  	v62 =	vshll.u32 v3, $0x2  }
0x34: {  	v3 =	vand.u32 $0x7, v3;
	v4 =	vand.u32 $0xFFFFFFE0, v62  }
0x35: {  	v3 =	vor.u32 v3, v4  }
0x36: {  	v4 =	vperm.xlane v3, v0;
	_ =	sdelay $0x1  }
0x37: {  	v4 =	vadd.s32 v1, v4;
	_ =	sdelay $0x1  }
0x38: {  	v3 =	vperm.xlane v3, v2;
	_ =	sdelay $0x1  }
0x39: {  	v3 =	vadd.s32 v1, v3  }
0x3a: {  	[tilespmem:s17], [sflag:$0x1] =	stream.indirect_vreg.gather [hbm4b:s1+s3], $0x80, v4, vm0, $0xb8;
	[tilespmem:$0x8080] =	vst v63  }
0x3b: {  	_ = 	snop  }
0x3c: {  	[tilespmem:s18], [sflag:$0x1] =	stream.indirect_vreg.gather [hbm4b:s5+s3], $0x80, v4, vm0, $0xb8;
	[tilespmem:$0x8080] =	vst v63  }
0x3d: {  	_ = 	snop  }
0x3e: {  	[tilespmem:s19], [sflag:$0x1] =	stream.indirect_vreg.gather [hbm4b:s1+s3], $0x80, v3, vm0, $0xb8;
	[tilespmem:$0x8080] =	vst v63  }
0x3f: {  	_ = 	snop  }
0x40: {  	[tilespmem:s20], [sflag:$0x1] =	stream.indirect_vreg.gather [hbm4b:s5+s3], $0x80, v3, vm0, $0xb8;
	[tilespmem:$0x8080] =	vst v63  }
0x41: {  	v3 =	vld [tilespmem:$0x30];
	_ =	sdelay $0x4  }
0x42: {  	v63 =	vshll.u32 v3, $0x2  }
0x43: {  	v3 =	vand.u32 $0x7, v3;
	v4 =	vand.u32 $0xFFFFFFE0, v63  }
0x44: {  	v3 =	vor.u32 v3, v4  }
0x45: {  	v4 =	vperm.xlane v3, v0;
	_ =	sdelay $0x1  }
0x46: {  	v4 =	vadd.s32 v1, v4;
	_ =	sdelay $0x1  }
0x47: {  	v3 =	vperm.xlane v3, v2;
	_ =	sdelay $0x1  }
0x48: {  	v3 =	vadd.s32 v1, v3  }
0x49: {  	[tilespmem:s21], [sflag:$0x1] =	stream.indirect_vreg.gather [hbm4b:s1+s3], $0x80, v4, vm0, $0xb8;
	[tilespmem:$0x8080] =	vst v63  }
0x4a: {  	_ = 	snop  }
0x4b: {  	[tilespmem:s22], [sflag:$0x1] =	stream.indirect_vreg.gather [hbm4b:s5+s3], $0x80, v4, vm0, $0xb8;
	[tilespmem:$0x8080] =	vst v63  }
0x4c: {  	_ = 	snop  }
0x4d: {  	[tilespmem:s23], [sflag:$0x1] =	stream.indirect_vreg.gather [hbm4b:s1+s3], $0x80, v3, vm0, $0xb8;
	[tilespmem:$0x8080] =	vst v63  }
0x4e: {  	_ = 	snop  }
0x4f: {  	[tilespmem:s24], [sflag:$0x1] =	stream.indirect_vreg.gather [hbm4b:s5+s3], $0x80, v3, vm0, $0xb8;
	[tilespmem:$0x8080] =	vst v63  }
0x50: {  	_ =	swait.ge [sflag:s25], $0x8000  }
0x51: {  	p0 =	sne.s32 s7, $0x1;
	[sflag:s25] =	ssyncset.done $0x0  }
.Ltmp0:
0x52: {  	[sflag:s25] =	ssyncadd.s32 $0xFFFF8000;
	(pc) =	sbr.rel @p0 .LBB2_1-.Ltmp0, $4  }
0x53: {  	[hbm4b:s6+s3] =	stream.linear.scatter [tilespmem:s9], [sflag:$0x2], $0x8000, $0x38;
	[tilespmem:$0x8080] =	vst v63  }
0x54: {  	_ =	swait.ge [sflag:s8], $0x8000  }
0x55: {  	[sflag:s8] =	ssyncset.done $0x0  }
0x56: {  	s7 =	sadd.s32 $0xFFFFFFFF, s7;
	[sflag:s8] =	ssyncadd.s32 $0xFFFF8000  }
0x57: {  	_ =	sfence.sel $0x180000  }
0x58: {  	[bflag:$0x0] =	sbarrier.arrive $0xFFFF  }
0x59: {  	p0 =	sne.s32 s2, $0x0;
	_ =	strace $0x90000047  }
0x5a: {  	s0 =	sadd.s32 @!p0 $0x100000, s0;
	[bflag:$0x2] =	sbarrier.arrive $0xFFFF  }
0x5b: {  	[sflag:s0] =	ssyncadd.tile.s32 @!p0 $0x1;
	_ =	shalt  }
.Lfunc_end2:
_tile_overlayer_lowered:
.L_overlay_start_2:
0x5c: {  	(tag) =	ssettag $0x2  }
0x5d: {  	s0 =	rddreg [dreg:$0x0];
	s2 =	stileid.u32  }
0x5e: {  	s1 =	rddreg [dreg:$0x1];
	p0 =	sne.s32 s2, $0x0  }
0x5f: {  	s3 =	rddreg [dreg:$0x2];
	[bflag:$0x3] =	sbarrier.arrive $0xFFFF;
	s2 =	simm.s32 @!p0 $0x1C02  }
0x60: {  	[timem:s3], [sflag:s2] =	dma.local @!p0 [hbm:s0], s1  }
0x61: {  	s0 =	simm.s32 @!p0 $0x2  }
0x62: {  	_ =	swait.ge @!p0 [sflag:s0], s1  }
0x63: {  	s1 =	ssub.s32 @!p0 $0x0, s1;
	[sflag:s0] =	ssyncset.done @!p0 $0x0  }
0x64: {  	[sflag:s0] =	ssyncadd.s32 @!p0 s1  }
0x65: {  	[bflag:$0x3] =	sbarrier.arrive $0xFFFF  }
0x66: {  	_ =	shalt  }

</sc_bundles>
